<compile_context>
chip_gen: v7x
topology: tpu7x:2x2x1
jax: 0.10.2.dev20260603
libtpu: 0.0.44.dev20260713+nightly
codegen_flags: <defaults>
</compile_context>

<pallas_src>
import functools

import jax
import jax.numpy as jnp
from jax import lax
from jax.experimental import pallas as pl
from jax.experimental.pallas import tpu as pltpu
from jax.experimental.pallas import tpu_sc as plsc

_NUM_WORKERS = 32
_CHUNK = 80


def _sc_word_gather(word_table, idx_flat):
    n = idx_flat.shape[0]
    d = word_table.shape[1]
    bpw = n // _NUM_WORKERS
    nch = bpw // _CHUNK
    mesh = plsc.VectorSubcoreMesh(core_axis_name="c", subcore_axis_name="s")

    @functools.partial(
        pl.kernel,
        mesh=mesh,
        out_type=jax.ShapeDtypeStruct((n, d), jnp.float32),
        scratch_types=[
            pltpu.VMEM((bpw,), jnp.int32),
            pltpu.VMEM((_CHUNK, d), jnp.float32),
            pltpu.SemaphoreType.DMA,
        ],
    )
    def k(table_hbm, idx_hbm, out_hbm, idx_v, rows_v, sem):
        wid = lax.axis_index("s") * 2 + lax.axis_index("c")
        base = wid * bpw
        pltpu.sync_copy(idx_hbm.at[pl.ds(base, bpw)], idx_v)

        def body(c, carry):
            off = c * _CHUNK
            pltpu.async_copy(
                table_hbm.at[idx_v.at[pl.ds(off, _CHUNK)]], rows_v, sem
            ).wait()
            pltpu.sync_copy(rows_v, out_hbm.at[pl.ds(base + off, _CHUNK)])
            return carry

        lax.fori_loop(0, nch, body, 0)

    return k(word_table, idx_flat)


def _tc_encode(word_g, char_idx, pos_idx, ftab, pos_table, conv_b, cl, clp):
    n, wd = word_g.shape
    nc = ftab.shape[0]
    npos, pd = pos_table.shape
    nf = conv_b.shape[-1]
    out_d = wd + nf + pd
    tile = 512
    grid = n // tile

    def body(word_ref, cidx_ref, pidx_ref, ftab_ref, ptab_ref, b_ref,
             out_ref):
        cidx = cidx_ref[...].astype(jnp.int32)
        oh = (cidx == lax.broadcasted_iota(jnp.int32, (1, nc), 1)).astype(
            jnp.bfloat16)
        y = jnp.dot(oh, ftab_ref[...], preferred_element_type=jnp.float32)
        y0 = y[:, :nf].reshape(tile, clp, nf)
        y1 = y[:, nf:2 * nf].reshape(tile, clp, nf)
        y2 = y[:, 2 * nf:].reshape(tile, clp, nf)
        z2 = jnp.zeros((tile, 2, nf), jnp.float32)
        z1 = jnp.zeros((tile, 1, nf), jnp.float32)
        conv = (jnp.concatenate([z2, y0[:, :clp - 2]], axis=1)
                + jnp.concatenate([z1, y1[:, :clp - 1]], axis=1)
                + y2)
        tpos = lax.broadcasted_iota(jnp.int32, (tile, clp, nf), 1)
        convm = jnp.where(tpos < cl + 2, conv, jnp.float32(-1e30))
        feat = jnp.tanh(jnp.max(convm, axis=1) + b_ref[...])
        pidx = pidx_ref[...].astype(jnp.int32)
        poh = (pidx == lax.broadcasted_iota(jnp.int32, (1, npos), 1)).astype(
            jnp.float32)
        posv = jnp.dot(poh, ptab_ref[...], preferred_element_type=jnp.float32)
        out_ref[:, :wd] = word_ref[...]
        out_ref[:, wd:wd + nf] = feat
        out_ref[:, wd + nf:] = posv

    return pl.pallas_call(
        body,
        grid=(grid,),
        in_specs=[
            pl.BlockSpec((tile, wd), lambda i: (i, 0)),
            pl.BlockSpec((tile * clp, 1), lambda i: (i, 0)),
            pl.BlockSpec((tile, 1), lambda i: (i, 0)),
            pl.BlockSpec(ftab.shape, lambda i: (0, 0)),
            pl.BlockSpec((npos, pd), lambda i: (0, 0)),
            pl.BlockSpec((1, nf), lambda i: (0, 0)),
        ],
        out_specs=pl.BlockSpec((tile, out_d), lambda i: (i, 0)),
        out_shape=jax.ShapeDtypeStruct((n, out_d), jnp.float32),
        compiler_params=pltpu.CompilerParams(
            dimension_semantics=("parallel",)),
    )(word_g, char_idx, pos_idx, ftab, pos_table, conv_b)


def kernel(input_word, input_char, input_pos, word_table, char_table,
           pos_table, conv_w, conv_b):
    b, l = input_word.shape
    cl = input_char.shape[2]
    n = b * l
    word_g = _sc_word_gather(word_table,
                             input_word.reshape(n).astype(jnp.int32))
    wcat = conv_w.transpose(1, 2, 0).reshape(conv_w.shape[1], -1)
    ftab = (char_table @ wcat).astype(jnp.bfloat16)
    clp = ((cl + 2 + 7) // 8) * 8
    nc = char_table.shape[0]
    cpad = jnp.pad(input_char.astype(jnp.int16), ((0, 0), (0, 0), (0, clp - cl)),
                   constant_values=nc)
    out = _tc_encode(
        word_g,
        cpad.reshape(n * clp, 1),
        input_pos.reshape(n, 1).astype(jnp.int16),
        ftab, pos_table,
        conv_b.reshape(1, -1), cl, clp)
    return out.reshape(b, l, -1)

# --- scband reference (transcript-rebuilt; emitter-appended) ---
"""Pipeline reference for scband-inp-encoder-69801808495246 (READ-ONLY COPY).

The authoritative reference and input builder live on the scoring server;
editing this copy changes nothing except your own understanding.
"""

import jax, jax.numpy as jnp
import numpy as np

NUM_WORDS = 100000
NUM_CHARS = 256
NUM_POS = 64
WORD_DIM = 128
CHAR_DIM = 64
POS_DIM = 32
NUM_FILTERS = 128
KERNEL = 3
B, L, CL = 1024, 50, 20


def setup_inputs(seed: int = 0) -> dict:
    key = jax.random.key(seed)
    ks = jax.random.split(key, 8)
    input_word = jax.random.randint(ks[0], (B, L), 0, NUM_WORDS)
    input_char = jax.random.randint(ks[1], (B, L, CL), 0, NUM_CHARS)
    input_pos = jax.random.randint(ks[2], (B, L), 0, NUM_POS)
    word_table = jax.random.normal(ks[3], (NUM_WORDS, WORD_DIM), dtype=jnp.float32) * 0.02
    char_table = jax.random.normal(ks[4], (NUM_CHARS, CHAR_DIM), dtype=jnp.float32) * 0.02
    pos_table = jax.random.normal(ks[5], (NUM_POS, POS_DIM), dtype=jnp.float32) * 0.02
    conv_w = jax.random.normal(ks[6], (NUM_FILTERS, CHAR_DIM, KERNEL), dtype=jnp.float32) * 0.05
    conv_b = jnp.zeros((NUM_FILTERS,), dtype=jnp.float32)
    return {
        "input_word": input_word,
        "input_char": input_char,
        "input_pos": input_pos,
        "word_table": word_table,
        "char_table": char_table,
        "pos_table": pos_table,
        "conv_w": conv_w,
        "conv_b": conv_b,
    }


def reference(input_word, input_char, input_pos, word_table, char_table, pos_table, conv_w, conv_b):
    # word embedding lookup
    word = jnp.take(word_table, input_word, axis=0)  # [B, L, WORD_DIM]
    # char embedding lookup + CNN over characters
    char = jnp.take(char_table, input_char, axis=0)  # [B, L, CL, CHAR_DIM]
    b, l, cl, d = char.shape
    char = char.reshape(b * l, cl, d).transpose(0, 2, 1)  # [B*L, CHAR_DIM, CL]
    # torch Conv1d(char_dim, num_filters, kernel=3, padding=2)
    conv = jax.lax.conv_general_dilated(
        char, conv_w,
        window_strides=(1,),
        padding=[(KERNEL - 1, KERNEL - 1)],
        dimension_numbers=("NCH", "OIH", "NCH"),
    )
    conv = conv + conv_b[None, :, None]  # [B*L, NUM_FILTERS, CL+2]
    char_feat = jnp.max(conv, axis=2)  # max over time
    char_feat = jnp.tanh(char_feat).reshape(b, l, -1)  # [B, L, NUM_FILTERS]
    # pos embedding lookup
    pos = jnp.take(pos_table, input_pos, axis=0)  # [B, L, POS_DIM]
    inp = jnp.concatenate([word, char_feat, pos], axis=2)
    return inp

if __name__ == "__main__":
    import jax
    _d = setup_inputs()
    print(jax.jit(kernel)(*tuple(_d.values())))

</pallas_src>

<mosaic_0001>
#map = affine_map<(d0, d1) -> (0, 0)>
#map1 = affine_map<(d0, d1) -> (0)>
module attributes {stable_mosaic.version = 14 : i64} {
  func.func @k(%arg0: i32, %arg1: i32, %arg2: memref<100000x128xf32, #tpu.memory_space<hbm>>, %arg3: memref<51200xi32, #tpu.memory_space<hbm>>, %arg4: memref<51200x128xf32, #tpu.memory_space<hbm>>, %arg5: memref<1600xi32, #tpu.memory_space<vmem>>, %arg6: memref<80x128xf32, #tpu.memory_space<vmem>>, %arg7: memref<!tpu.dma_semaphore, #tpu.memory_space<semaphore_mem>>) attributes {dimension_semantics = [#tpu.dimension_semantics<core_parallel>, #tpu.dimension_semantics<subcore_parallel>], iteration_bounds = array<i64: 2, 16>, scalar_prefetch = 0 : i64, scratch_operands = 3 : i64, tpu.core_type = #tpu.core_type<sc_vector_subcore>, window_params = [{transform_indices = #map}, {transform_indices = #map1}, {transform_indices = #map}]} {
    %mul3A = arith.constant 2 : i32
    %mul3A_0 = arith.muli %arg1, %mul3A : i32
    %add3A = arith.addi %mul3A_0, %arg0 : i32
    %mul3A_1 = arith.constant 1600 : i32
    %mul3A_2 = arith.muli %add3A, %mul3A_1 : i32
    "tpu.region"() ({
      %run_scoped3A = tpu.sem_alloc : memref<!tpu.dma_semaphore, #tpu.memory_space<semaphore_mem>>
      %dma_start3A = tpu.memref_slice %arg3[%mul3A_2] : memref<51200xi32, #tpu.memory_space<hbm>> -> memref<1600xi32, #tpu.memory_space<hbm>>
      %dma_start3A_8 = tpu.memref_slice %arg3[%mul3A_2] : memref<51200xi32, #tpu.memory_space<hbm>> -> memref<1600xi32, #tpu.memory_space<hbm>>
      tpu.enqueue_dma source(%dma_start3A_8 : memref<1600xi32, #tpu.memory_space<hbm>>) target(%arg5 : memref<1600xi32, #tpu.memory_space<vmem>>) target_semaphore(%run_scoped3A : memref<!tpu.dma_semaphore, #tpu.memory_space<semaphore_mem>>)
      %dma_wait3A = tpu.memref_slice %arg3[%mul3A_2] : memref<51200xi32, #tpu.memory_space<hbm>> -> memref<1600xi32, #tpu.memory_space<hbm>>
      %dma_wait3A_9 = tpu.memref_slice %arg3[%mul3A_2] : memref<51200xi32, #tpu.memory_space<hbm>> -> memref<1600xi32, #tpu.memory_space<hbm>>
      tpu.wait_dma2 semaphore(%run_scoped3A : memref<!tpu.dma_semaphore, #tpu.memory_space<semaphore_mem>>) src(%dma_wait3A_9 : memref<1600xi32, #tpu.memory_space<hbm>>) dst(%arg5 : memref<1600xi32, #tpu.memory_space<vmem>>)
      tpu.yield
    }) : () -> ()
    %scan3A = arith.constant 0 : i32
    %scan3A_3 = arith.constant 0 : i32
    %scan3A_4 = arith.constant 20 : i32
    %scan3A_5 = arith.addi %scan3A_3, %scan3A_4 : i32
    %scan3A_6 = arith.constant 1 : i32
    scf.for %scan3A_8 = %scan3A_3 to %scan3A_5 step %scan3A_6  : i32 {
      %mul3A_9 = arith.constant 80 : i32
      %mul3A_10 = arith.muli %scan3A_8, %mul3A_9 : i32
      %dma_start3A = tpu.memref_slice %arg5[%mul3A_10] : memref<1600xi32, #tpu.memory_space<vmem>> -> memref<80xi32, #tpu.memory_space<vmem>>
      %dma_start3A_11 = arith.constant 0 : i32
      %dma_start3A_12 = arith.constant 0 : i32
      %dma_start3A_13 = tpu.memref_slice %arg2[%dma_start3A_11, %dma_start3A_12] : memref<100000x128xf32, #tpu.memory_space<hbm>> -> memref<100000x128xf32, #tpu.memory_space<hbm>>
      tpu.enqueue_indirect_dma source(%dma_start3A_13 : memref<100000x128xf32, #tpu.memory_space<hbm>>) target(%arg6 : memref<80x128xf32, #tpu.memory_space<vmem>>) offsets(%dma_start3A : memref<80xi32, #tpu.memory_space<vmem>>) semaphore(%arg7 : memref<!tpu.dma_semaphore, #tpu.memory_space<semaphore_mem>>)
      %dma_wait3A = tpu.memref_slice %arg5[%mul3A_10] : memref<1600xi32, #tpu.memory_space<vmem>> -> memref<80xi32, #tpu.memory_space<vmem>>
      %dma_wait3A_14 = arith.constant 0 : i32
      %dma_wait3A_15 = arith.constant 0 : i32
      %dma_wait3A_16 = tpu.memref_slice %arg2[%dma_wait3A_14, %dma_wait3A_15] : memref<100000x128xf32, #tpu.memory_space<hbm>> -> memref<100000x128xf32, #tpu.memory_space<hbm>>
      tpu.wait_indirect_dma semaphore(%arg7 : memref<!tpu.dma_semaphore, #tpu.memory_space<semaphore_mem>>) src(%dma_wait3A_16 : memref<100000x128xf32, #tpu.memory_space<hbm>>) dst(%arg6 : memref<80x128xf32, #tpu.memory_space<vmem>>)
      %add3A_17 = arith.addi %mul3A_2, %mul3A_10 : i32
      "tpu.region"() ({
        %run_scoped3A = tpu.sem_alloc : memref<!tpu.dma_semaphore, #tpu.memory_space<semaphore_mem>>
        %dma_start3A_18 = arith.constant 0 : i32
        %dma_start3A_19 = tpu.memref_slice %arg4[%add3A_17, %dma_start3A_18] : memref<51200x128xf32, #tpu.memory_space<hbm>> -> memref<80x128xf32, #tpu.memory_space<hbm>>
        %dma_start3A_20 = arith.constant 0 : i32
        %dma_start3A_21 = tpu.memref_slice %arg4[%add3A_17, %dma_start3A_20] : memref<51200x128xf32, #tpu.memory_space<hbm>> -> memref<80x128xf32, #tpu.memory_space<hbm>>
        tpu.enqueue_dma source(%arg6 : memref<80x128xf32, #tpu.memory_space<vmem>>) target(%dma_start3A_21 : memref<80x128xf32, #tpu.memory_space<hbm>>) target_semaphore(%run_scoped3A : memref<!tpu.dma_semaphore, #tpu.memory_space<semaphore_mem>>)
        %dma_wait3A_22 = arith.constant 0 : i32
        %dma_wait3A_23 = tpu.memref_slice %arg4[%add3A_17, %dma_wait3A_22] : memref<51200x128xf32, #tpu.memory_space<hbm>> -> memref<80x128xf32, #tpu.memory_space<hbm>>
        %dma_wait3A_24 = arith.constant 0 : i32
        %dma_wait3A_25 = tpu.memref_slice %arg4[%add3A_17, %dma_wait3A_24] : memref<51200x128xf32, #tpu.memory_space<hbm>> -> memref<80x128xf32, #tpu.memory_space<hbm>>
        tpu.wait_dma2 semaphore(%run_scoped3A : memref<!tpu.dma_semaphore, #tpu.memory_space<semaphore_mem>>) src(%arg6 : memref<80x128xf32, #tpu.memory_space<vmem>>) dst(%dma_wait3A_25 : memref<80x128xf32, #tpu.memory_space<hbm>>)
        tpu.yield
      }) : () -> ()
    }
    %scan3A_7 = arith.constant 20 : i32
    return
  }
}

module attributes {stable_mosaic.version = 14 : i64} {
  func.func @body(%arg0: i32, %arg1: memref<512x128xf32, #tpu.memory_space<vmem>>, %arg2: memref<12288x1xi16, #tpu.memory_space<vmem>>, %arg3: memref<512x1xi16, #tpu.memory_space<vmem>>, %arg4: memref<256x384xbf16, #tpu.memory_space<vmem>>, %arg5: memref<64x32xf32, #tpu.memory_space<vmem>>, %arg6: memref<1x128xf32, #tpu.memory_space<vmem>>, %arg7: memref<512x288xf32, #tpu.memory_space<vmem>>) attributes {dimension_semantics = [#tpu.dimension_semantics<parallel>], iteration_bounds = array<i64: 100>, scalar_prefetch = 0 : i64, scratch_operands = 0 : i64, tpu.core_type = #tpu.core_type<tc>, window_params = [{transform_indices = @transform_0, window_bounds = array<i64: 512, 128>}, {transform_indices = @transform_1, window_bounds = array<i64: 12288, 1>}, {transform_indices = @transform_2, window_bounds = array<i64: 512, 1>}, {pipeline_mode = #tpu.pipeline_mode<synchronous>, transform_indices = @transform_3, window_bounds = array<i64: 256, 384>}, {pipeline_mode = #tpu.pipeline_mode<synchronous>, transform_indices = @transform_4, window_bounds = array<i64: 64, 32>}, {pipeline_mode = #tpu.pipeline_mode<synchronous>, transform_indices = @transform_5, window_bounds = array<i64: 1, 128>}, {transform_indices = @transform_6, window_bounds = array<i64: 512, 288>}]} {
    %get3A = arith.constant 0 : index
    %get3A_0 = arith.constant 0 : index
    %get3A_1 = vector.load %arg2[%get3A, %get3A_0] : memref<12288x1xi16, #tpu.memory_space<vmem>>, vector<12288x1xi16>
    %convert_element_type3A = arith.extsi %get3A_1 : vector<12288x1xi16> to vector<12288x1xi32>
    %iota3A = tpu.iota {dimensions = array<i32: 1>} : vector<1x256xi32>
    %eq3A = vector.broadcast %convert_element_type3A : vector<12288x1xi32> to vector<12288x256xi32>
    %eq3A_2 = vector.broadcast %iota3A : vector<1x256xi32> to vector<12288x256xi32>
    %eq3A_3 = arith.cmpi eq, %eq3A, %eq3A_2 : vector<12288x256xi32>
    %convert_element_type3A_4 = arith.extui %eq3A_3 : vector<12288x256xi1> to vector<12288x256xi32>
    %convert_element_type3A_5 = arith.sitofp %convert_element_type3A_4 : vector<12288x256xi32> to vector<12288x256xf32>
    %convert_element_type3A_6 = arith.truncf %convert_element_type3A_5 : vector<12288x256xf32> to vector<12288x256xbf16>
    %get3A_7 = arith.constant 0 : index
    %get3A_8 = arith.constant 0 : index
    %get3A_9 = vector.load %arg4[%get3A_7, %get3A_8] : memref<256x384xbf16, #tpu.memory_space<vmem>>, vector<256x384xbf16>
    %dot_general3A = arith.constant dense<0.000000e+00> : vector<12288x384xf32>
    %dot_general3A_10 = tpu.matmul %convert_element_type3A_6, %get3A_9, %dot_general3A {dimension_numbers = #tpu.dot_dimension_numbers<[1], [0], [0], [1], [0, 0, 1, 1], [], []>, transpose_lhs_hint = false} : vector<12288x256xbf16>, vector<256x384xbf16>, vector<12288x384xf32> -> vector<12288x384xf32>
    %slice3A = vector.extract_strided_slice %dot_general3A_10 {offsets = [0, 0], sizes = [12288, 128], strides = [1, 1]} : vector<12288x384xf32> to vector<12288x128xf32>
    %reshape3A = vector.shape_cast %slice3A : vector<12288x128xf32> to vector<512x24x128xf32>
    %slice3A_11 = vector.extract_strided_slice %dot_general3A_10 {offsets = [0, 128], sizes = [12288, 128], strides = [1, 1]} : vector<12288x384xf32> to vector<12288x128xf32>
    %reshape3A_12 = vector.shape_cast %slice3A_11 : vector<12288x128xf32> to vector<512x24x128xf32>
    %slice3A_13 = vector.extract_strided_slice %dot_general3A_10 {offsets = [0, 256], sizes = [12288, 128], strides = [1, 1]} : vector<12288x384xf32> to vector<12288x128xf32>
    %reshape3A_14 = vector.shape_cast %slice3A_13 : vector<12288x128xf32> to vector<512x24x128xf32>
    %broadcast_in_dim3A = arith.constant 0.000000e+00 : f32
    %broadcast_in_dim3A_15 = vector.broadcast %broadcast_in_dim3A : f32 to vector<512x2x128xf32>
    %broadcast_in_dim3A_16 = arith.constant 0.000000e+00 : f32
    %broadcast_in_dim3A_17 = vector.broadcast %broadcast_in_dim3A_16 : f32 to vector<512x1x128xf32>
    %slice3A_18 = vector.extract_strided_slice %reshape3A {offsets = [0, 0, 0], sizes = [512, 22, 128], strides = [1, 1, 1]} : vector<512x24x128xf32> to vector<512x22x128xf32>
    %concatenate3A = tpu.concatenate %broadcast_in_dim3A_15, %slice3A_18 in 1 : vector<512x2x128xf32>, vector<512x22x128xf32> -> vector<512x24x128xf32>
    %slice3A_19 = vector.extract_strided_slice %reshape3A_12 {offsets = [0, 0, 0], sizes = [512, 23, 128], strides = [1, 1, 1]} : vector<512x24x128xf32> to vector<512x23x128xf32>
    %concatenate3A_20 = tpu.concatenate %broadcast_in_dim3A_17, %slice3A_19 in 1 : vector<512x1x128xf32>, vector<512x23x128xf32> -> vector<512x24x128xf32>
    %add3A = arith.addf %concatenate3A, %concatenate3A_20 : vector<512x24x128xf32>
    %add3A_21 = arith.addf %add3A, %reshape3A_14 : vector<512x24x128xf32>
    %iota3A_22 = tpu.iota {dimensions = array<i32: 1>} : vector<512x24x128xi32>
    %lt3A = arith.constant 22 : i32
    %lt3A_23 = vector.broadcast %lt3A : i32 to vector<512x24x128xi32>
    %lt3A_24 = arith.cmpi slt, %iota3A_22, %lt3A_23 : vector<512x24x128xi32>
    %jit3A = arith.constant -1.000000e+30 : f32
    %broadcast_in_dim3A_25 = vector.broadcast %jit3A : f32 to vector<512x24x128xf32>
    %select_n3A = arith.select %lt3A_24, %add3A_21, %broadcast_in_dim3A_25 : vector<512x24x128xi1>, vector<512x24x128xf32>
    %reduce_max3A = arith.constant dense<0xFF800000> : vector<512x128xf32>
    %reduce_max3A_26 = vector.multi_reduction <maximumf>, %select_n3A, %reduce_max3A [1] : vector<512x24x128xf32> to vector<512x128xf32>
    %get3A_27 = arith.constant 0 : index
    %get3A_28 = arith.constant 0 : index
    %get3A_29 = vector.load %arg6[%get3A_27, %get3A_28] : memref<1x128xf32, #tpu.memory_space<vmem>>, vector<1x128xf32>
    %add3A_30 = vector.broadcast %get3A_29 : vector<1x128xf32> to vector<512x128xf32>
    %add3A_31 = arith.addf %reduce_max3A_26, %add3A_30 : vector<512x128xf32>
    %tanh3A = math.tanh %add3A_31 : vector<512x128xf32>
    %get3A_32 = arith.constant 0 : index
    %get3A_33 = arith.constant 0 : index
    %get3A_34 = vector.load %arg3[%get3A_32, %get3A_33] : memref<512x1xi16, #tpu.memory_space<vmem>>, vector<512x1xi16>
    %convert_element_type3A_35 = arith.extsi %get3A_34 : vector<512x1xi16> to vector<512x1xi32>
    %iota3A_36 = tpu.iota {dimensions = array<i32: 1>} : vector<1x64xi32>
    %eq3A_37 = vector.broadcast %convert_element_type3A_35 : vector<512x1xi32> to vector<512x64xi32>
    %eq3A_38 = vector.broadcast %iota3A_36 : vector<1x64xi32> to vector<512x64xi32>
    %eq3A_39 = arith.cmpi eq, %eq3A_37, %eq3A_38 : vector<512x64xi32>
    %convert_element_type3A_40 = arith.extui %eq3A_39 : vector<512x64xi1> to vector<512x64xi32>
    %convert_element_type3A_41 = arith.sitofp %convert_element_type3A_40 : vector<512x64xi32> to vector<512x64xf32>
    %get3A_42 = arith.constant 0 : index
    %get3A_43 = arith.constant 0 : index
    %get3A_44 = vector.load %arg5[%get3A_42, %get3A_43] : memref<64x32xf32, #tpu.memory_space<vmem>>, vector<64x32xf32>
    %dot_general3A_45 = arith.constant dense<0.000000e+00> : vector<512x32xf32>
    %dot_general3A_46 = tpu.matmul %convert_element_type3A_41, %get3A_44, %dot_general3A_45 {dimension_numbers = #tpu.dot_dimension_numbers<[1], [0], [0], [1], [0, 0, 1, 1], [], []>, transpose_lhs_hint = false} : vector<512x64xf32>, vector<64x32xf32>, vector<512x32xf32> -> vector<512x32xf32>
    %get3A_47 = arith.constant 0 : index
    %get3A_48 = arith.constant 0 : index
    %get3A_49 = vector.load %arg1[%get3A_47, %get3A_48] : memref<512x128xf32, #tpu.memory_space<vmem>>, vector<512x128xf32>
    %swap3A = arith.constant 0 : index
    %swap3A_50 = arith.constant 0 : index
    %swap3A_51 = vector.load %arg7[%swap3A, %swap3A_50] : memref<512x288xf32, #tpu.memory_space<vmem>>, vector<512x128xf32>
    tpu.vector_store %arg7[%swap3A, %swap3A_50], %get3A_49 {strides = array<i32>} : memref<512x288xf32, #tpu.memory_space<vmem>>, vector<512x128xf32>,
    %swap3A_52 = arith.constant 0 : index
    %swap3A_53 = arith.constant 128 : index
    %swap3A_54 = vector.load %arg7[%swap3A_52, %swap3A_53] : memref<512x288xf32, #tpu.memory_space<vmem>>, vector<512x128xf32>
    tpu.vector_store %arg7[%swap3A_52, %swap3A_53], %tanh3A {strides = array<i32>} : memref<512x288xf32, #tpu.memory_space<vmem>>, vector<512x128xf32>,
    %swap3A_55 = arith.constant 0 : index
    %swap3A_56 = arith.constant 256 : index
    %swap3A_57 = vector.load %arg7[%swap3A_55, %swap3A_56] : memref<512x288xf32, #tpu.memory_space<vmem>>, vector<512x32xf32>
    tpu.vector_store %arg7[%swap3A_55, %swap3A_56], %dot_general3A_46 {strides = array<i32>} : memref<512x288xf32, #tpu.memory_space<vmem>>, vector<512x32xf32>,
    return
  }
  func.func @transform_0(%arg0: i32) -> (i32, i32) {
    %c0_i32 = arith.constant 0 : i32
    %c0_i32_0 = arith.constant 0 : i32
    return %arg0, %c0_i32 : i32, i32
  }
  func.func @transform_1(%arg0: i32) -> (i32, i32) {
    %c0_i32 = arith.constant 0 : i32
    %c0_i32_0 = arith.constant 0 : i32
    return %arg0, %c0_i32 : i32, i32
  }
  func.func @transform_2(%arg0: i32) -> (i32, i32) {
    %c0_i32 = arith.constant 0 : i32
    %c0_i32_0 = arith.constant 0 : i32
    return %arg0, %c0_i32 : i32, i32
  }
  func.func @transform_3(%arg0: i32) -> (i32, i32) {
    %c0_i32 = arith.constant 0 : i32
    %c0_i32_0 = arith.constant 0 : i32
    %c0_i32_1 = arith.constant 0 : i32
    return %c0_i32, %c0_i32_0 : i32, i32
  }
  func.func @transform_4(%arg0: i32) -> (i32, i32) {
    %c0_i32 = arith.constant 0 : i32
    %c0_i32_0 = arith.constant 0 : i32
    %c0_i32_1 = arith.constant 0 : i32
    return %c0_i32, %c0_i32_0 : i32, i32
  }
  func.func @transform_5(%arg0: i32) -> (i32, i32) {
    %c0_i32 = arith.constant 0 : i32
    %c0_i32_0 = arith.constant 0 : i32
    %c0_i32_1 = arith.constant 0 : i32
    return %c0_i32, %c0_i32_0 : i32, i32
  }
  func.func @transform_6(%arg0: i32) -> (i32, i32) {
    %c0_i32 = arith.constant 0 : i32
    %c0_i32_0 = arith.constant 0 : i32
    return %arg0, %c0_i32 : i32, i32
  }
}

</mosaic_0001>

<sc_bundles>
// kernel: kernel.4.cloned.1.call-start
scs
__scs_entry_jumppad:
0x0: {  	(pc) =	sbr.rel $0x88, $3  }
0x1: {  	(tag) =	ssettag $0x0;
	lr =	simm.s32 $0x1  }
0x2: {  	[smem:$0x3F99] =	sst lr;
	_ =	strace $0xD0000000  }
0x3: {  	_ = 	snop  }
0x4: {  	_ = 	snop  }
0x5: {  	_ = 	snop  }
0x6: {  	_ = 	snop  }
0x7: {  	_ = 	snop  }
__scs_overlays_trampoline_lowered:
0x8: {  	[smem:$0x3FA8] =	sst s0  }
0x9: {  	[smem:$0x3FA9] =	sst s1  }
0xa: {  	[smem:$0x3FAA] =	sst s2  }
0xb: {  	[smem:$0x3FAB] =	sst s3  }
0xc: {  	[smem:$0x3FAC] =	sst s4  }
0xd: {  	[smem:$0x3FAD] =	sst s5  }
0xe: {  	[smem:$0x3FAE] =	sst s6  }
0xf: {  	[smem:$0x3FAF] =	sst s7  }
0x10: {  	[smem:$0x3FB0] =	sst s8  }
0x11: {  	[smem:$0x3FB1] =	sst s9;
	s0 =	simm.s32 @!p0 $0x0  }
0x12: {  	s1 =	sld [smem:$0x3F97];
	s0 =	simm.s32 @p0 $0x1  }
0x13: {  	[smem:$0x3FB2] =	sst s0;
	s0 =	simm.s32 @!p1 $0x0  }
0x14: {  	s2 =	sld [smem:$0x3F96];
	s0 =	simm.s32 @p1 $0x1  }
0x15: {  	[smem:$0x3FB3] =	sst s0;
	s0 =	simm.s32 @!p2 $0x0  }
0x16: {  	s3 =	sld [smem:$0x3FDB];
	s0 =	simm.s32 @p2 $0x1  }
0x17: {  	s4 =	simm.s32 $0x1BF5;
	[smem:$0x3FB5] =	sst s0  }
0x18: {  	s0 =	sld [smem:$0x3F98];
	_ =	swait.ge [sflag:s4], $0x0  }
0x19: {  	s7 =	sld [smem:$0x3F99]  }
0x1a: {  	s8 =	sadd.s32 $0xFFFFE003, lr  }
0x1b: {  	s9 =	sadd.s32 $0xFFFFFEF7, lr;
	s5 =	simm.s32 $0xFFFFFFFF;
	p2 =	slt.u32 s8, $0xFFFFF086  }
0x1c: {  	p1 =	slt.u32 s9, $0xF7A;
	s5 =	simm.s32 @!p2 $0x0  }
0x1d: {  	s5 =	simm.s32 @p1 $0x1;
	p0 =	seq.s32 s7, s2  }
0x1e: {  	s7 =	smul.u32 @!p0 $0xF7A, s2;
	p2 =	seq.s32 @!p0 s5, $0x0  }
0x1f: {  	s9 =	smul.u32 $0xF7A, s1;
	s8 =	simm.s32 @!p0 $0x1BF5;
	p2 =	por !p2, p0  }
0x20: {  	[sflag:s8] =	ssyncset.s32 @!p0 $0xFFFFF086;
	s6 =	sadd.s32 @!p0 s3, s7;
	s7 =	simm.s32 @!p0 $0x108  }
0x21: {  	s3 =	sadd.s32 s3, s9;
	s6 =	sadd.s32 @!p0 $0x88, s6;
	s7 =	simm.s32 @p2 $0x1082  }
0x22: {  	[simem:s7], [sflag:s8] =	dma.local @!p0 [hbm:s6], $0xF7A  }
0x23: {  	s9 =	sor.u32 $0xD0000000, s2;
	s6 =	simm.s32 $0x108;
	_ =	swait.ge @!p0 [sflag:s8], $0x0  }
0x24: {  	s3 =	sadd.s32 $0x88, s3;
	s6 =	simm.s32 @!p1 $0x1082;
	[sflag:s4] =	ssyncset.s32 $0xFFFFF086  }
0x25: {  	[simem:s6], [sflag:s4] =	dma.local [hbm:s3], $0xF7A  }
0x26: {  	[smem:$0x3F99] =	sst s1;
	(tag) =	ssettag s2;
	_ =	strace s9  }
0x27: {  	s1 =	sld [smem:$0x3FA9]  }
0x28: {  	s2 =	sld [smem:$0x3FAA]  }
0x29: {  	s4 =	sld [smem:$0x3FAC]  }
0x2a: {  	p0 =	seq.s32 s5, $0x0;
	s5 =	sld [smem:$0x3FAD]  }
0x2b: {  	s6 =	sld [smem:$0x3FAE]  }
0x2c: {  	s7 =	sld [smem:$0x3FAF]  }
0x2d: {  	s3 =	simm.s32 $0x108;
	s8 =	sld [smem:$0x3FB0]  }
0x2e: {  	s3 =	simm.s32 @!p0 $0x1082;
	s9 =	sld [smem:$0x3FB1]  }
0x2f: {  	lr =	sadd.s32 s0, s3;
	s0 =	sld [smem:$0x3FA8]  }
0x30: {  	s3 =	sld [smem:$0x3FAB]  }
0x31: {  	[smem:$0x3FB4] =	sst s10  }
0x32: {  	s10 =	sld [smem:$0x3FB2];
	_ =	sdelay $0x3  }
0x33: {  	p0 =	seq.s32 s10, $0x1;
	s10 =	sld [smem:$0x3FB4];
	_ =	sdelay $0x3  }
0x34: {  	[smem:$0x3FB4] =	sst s10  }
0x35: {  	s10 =	sld [smem:$0x3FB3];
	_ =	sdelay $0x3  }
0x36: {  	p1 =	seq.s32 s10, $0x1;
	s10 =	sld [smem:$0x3FB4];
	_ =	sdelay $0x3  }
0x37: {  	[smem:$0x3FB4] =	sst s10  }
0x38: {  	s10 =	sld [smem:$0x3FB5]  }
0x39: {  	_ = 	snop;
	(pc) =	sbr.ind lr, $3  }
0x3a: {  	_ = 	snop  }
0x3b: {  	_ = 	snop  }
0x3c: {  	p2 =	seq.s32 s10, $0x1;
	s10 =	sld [smem:$0x3FB4]  }
0x3d: {  	_ =	shalt  }
0x3e: {  	_ =	shalt  }
0x3f: {  	_ =	shalt  }
0x40: {  	_ =	shalt  }
0x41: {  	_ =	shalt  }
0x42: {  	_ =	shalt  }
0x43: {  	_ =	shalt  }
0x44: {  	_ =	shalt  }
0x45: {  	_ =	shalt  }
0x46: {  	_ =	shalt  }
0x47: {  	_ =	shalt  }
0x48: {  	_ =	shalt  }
0x49: {  	_ =	shalt  }
0x4a: {  	_ =	shalt  }
0x4b: {  	_ =	shalt  }
0x4c: {  	_ =	shalt  }
0x4d: {  	_ =	shalt  }
0x4e: {  	_ =	shalt  }
0x4f: {  	_ =	shalt  }
0x50: {  	_ =	shalt  }
0x51: {  	_ =	shalt  }
0x52: {  	_ =	shalt  }
0x53: {  	_ =	shalt  }
0x54: {  	_ =	shalt  }
0x55: {  	_ =	shalt  }
0x56: {  	_ =	shalt  }
0x57: {  	_ =	shalt  }
0x58: {  	_ =	shalt  }
0x59: {  	_ =	shalt  }
0x5a: {  	_ =	shalt  }
0x5b: {  	_ =	shalt  }
0x5c: {  	_ =	shalt  }
0x5d: {  	_ =	shalt  }
0x5e: {  	_ =	shalt  }
0x5f: {  	_ =	shalt  }
0x60: {  	_ =	shalt  }
0x61: {  	_ =	shalt  }
0x62: {  	_ =	shalt  }
0x63: {  	_ =	shalt  }
0x64: {  	_ =	shalt  }
0x65: {  	_ =	shalt  }
0x66: {  	_ =	shalt  }
0x67: {  	_ =	shalt  }
0x68: {  	_ =	shalt  }
0x69: {  	_ =	shalt  }
0x6a: {  	_ =	shalt  }
0x6b: {  	_ =	shalt  }
0x6c: {  	_ =	shalt  }
0x6d: {  	_ =	shalt  }
0x6e: {  	_ =	shalt  }
0x6f: {  	_ =	shalt  }
0x70: {  	_ =	shalt  }
0x71: {  	_ =	shalt  }
0x72: {  	_ =	shalt  }
0x73: {  	_ =	shalt  }
0x74: {  	_ =	shalt  }
0x75: {  	_ =	shalt  }
0x76: {  	_ =	shalt  }
0x77: {  	_ =	shalt  }
0x78: {  	_ =	shalt  }
0x79: {  	_ =	shalt  }
0x7a: {  	_ =	shalt  }
0x7b: {  	_ =	shalt  }
0x7c: {  	_ =	shalt  }
0x7d: {  	_ =	shalt  }
0x7e: {  	_ =	shalt  }
0x7f: {  	_ =	shalt  }
0x80: {  	_ =	shalt  }
0x81: {  	_ =	shalt  }
0x82: {  	_ =	shalt  }
0x83: {  	_ =	shalt  }
0x84: {  	_ =	shalt  }
0x85: {  	_ =	shalt  }
0x86: {  	_ =	shalt  }
0x87: {  	_ =	shalt  }
.Lfunc_end0:
.L_simem_size_0:
called_computation.1_lowered:
.L_overlay_start_0:
0x88: {  	s2 =	sld [smem:$0x3FD9]  }
0x89: {  	s3 =	sld [smem:$0x3FFE];
	_ =	sdelay $0x1  }
0x8a: {  	s1 =	srdreg.scid  }
0x8b: {  	s0 =	sand.u32 $0x1, s1  }
0x8c: {  	s17 =	sshll.u32 s0, $0xA;
	s2 =	sadd.s32 s3, s2  }
0x8d: {  	s2 =	sadd.s32 s2, s17  }
0x8e: {  	[smem:$0x3FC0] =	sst s2  }
0x8f: {  	_ = 	snop  }
0x90: {  	s2 =	sld [smem:$0x3FC6]  }
0x91: {  	s18 =	sld [smem:$0x3FD0];
	(tm) =	ssettm $0x1  }
0x92: {  	s4 =	sld [smem:$0x3FFB];
	_ =	sdelay $0x3  }
0x93: {  	_ =	strace s4  }
0x94: {  	s4 =	sld [smem:$0x3FFC];
	_ =	sdelay $0x3  }
0x95: {  	_ =	strace s4  }
0x96: {  	s4 =	sld [smem:$0x3FFD];
	_ =	sdelay $0x3  }
0x97: {  	_ =	strace s4  }
0x98: {  	_ =	strace $0x8FFFFFFF  }
0x99: {  	s19 =	sld [smem:$0x3FDB];
	_ =	sdelay $0x1  }
0x9a: {  	s5 =	simm.s32 $_scs_section_size  }
0x9b: {  	s6 =	simm.s32 $_size__tile_overlayer_lowered;
	s7 =	simm.s32 $_tile_overlayer_lowered  }
0x9c: {  	s22 =	simm.s32 $0x1BFF;
	s21 =	sshll.u32 s7, $0x1;
	s4 =	sadd.s32 s5, s19  }
0x9d: {  	s8 =	simm.s32 $0x0;
	s20 =	sshll.u32 s6, $0x1;
	s6 =	sadd.s32 s21, s4  }
0x9e: {  	[timem:s8], [sflag:s22] =	dma.local [hbm:s6], s20  }
0x9f: {  	_ =	swait.ge [sflag:s22], s20  }
0xa0: {  	s5 =	ssub.s32 $0x0, s20;
	[sflag:s22] =	ssyncset.done $0x0  }
0xa1: {  	[sflag:s22] =	ssyncadd.s32 s5;
	_ =	sdelay $0x1  }
0xa2: {  	s23 =	simm.s32 $0x1B8B  }
0xa3: {  	_ =	swait.ge [sflag:s23], $0x1  }
0xa4: {  	[sflag:s23] =	ssyncset.done $0x0  }
0xa5: {  	s25 =	simm.s32 $0x1B8E;
	s24 =	sld [smem:$0x3FFE];
	[sflag:s23] =	ssyncadd.s32 $0xFFFFFFFF  }
0xa6: {  	s26 =	simm.s32 $execute0_lowered;
	[smem:$0x3FD2] =	sst s25  }
0xa7: {  	s6 =	sshll.u32 s26, $0x1;
	_ =	strace $0x80000046;
	[dreg:$0x1] =	wrdreg $0xFFFFFFFF  }
0xa8: {  	s28 =	simm.s32 $_size_execute0_lowered;
	s4 =	sadd.s32 s4, s6;
	[dreg:$0x0] =	wrdreg $0x0  }
0xa9: {  	s6 =	sshll.u32 s28, $0x1;
	[dreg:$0x2] =	wrdreg s4  }
0xaa: {  	[dreg:$0x3] =	wrdreg s6  }
0xab: {  	[dreg:$0x4] =	wrdreg $0xC0  }
0xac: {  	_ =	task [dreg:s8], $0x5FFFF  }
0xad: {  	[dreg:$0x1] =	wrdreg $0xFFFFFFFF  }
0xae: {  	[dreg:$0x0] =	wrdreg $0x60  }
0xaf: {  	[dreg:$0x2] =	wrdreg s2  }
0xb0: {  	[dreg:$0x3] =	wrdreg s24  }
0xb1: {  	[dreg:$0x4] =	wrdreg s18  }
0xb2: {  	[dreg:$0x5] =	wrdreg $0x9  }
0xb3: {  	_ =	task.clear_ibuf [dreg:s8], $0x6FFFF;
	_ =	strace $0x90000046  }
0xb4: {  	s29 =	simm.s32 $0x9;
	_ =	strace $0x80000048  }
0xb5: {  	_ =	swait.ge [sflag:s29], $0x1  }
0xb6: {  	[sflag:s29] =	ssyncadd.s32 $0xFFFFFFFF  }
0xb7: {  	_ =	strace $0x90000048  }
0xb8: {  	_ =	sfence  }
0xb9: {  	s30 =	sld [smem:$0x0];
	_ =	sdelay $0x2  }
0xba: {  	s31 =	sshll.u32 s1, $0xD;
	s1 =	sshrl.u32 s1, $0x2  }
0xbb: {  	s3 =	sand.u32 $0x4000, s31;
	s1 =	sadd.s32 s1, s30  }
0xbc: {  	s0 =	sor.u32 s3, s0;
	s1 =	sshll.u32 s1, $0x11  }
0xbd: {  	s0 =	sor.u32 s1, s0  }
0xbe: {  	s0 =	sadd.s32 $0x8F2B, s0  }
0xbf: {  	[sflag:s0] =	ssyncadd.remote.s32 $0x1  }
0xc0: {  	_ =	sfence.sel $0xFFFF  }
0xc1: {  	[dreg:$0x0] =	wrdreg $0xFFFFFFFF;
	(pc) =	sbr.abs _section_cstart, $3  }
0xc2: {  	[dreg:$0x1] =	wrdreg $0xFFFFFFFF  }
0xc3: {  	_ =	task.clear_ibuf [dreg:s8], $0x2FFFF;
	_ =	strace $0x9FFFFFFF  }
0xc4: {  	(tm) =	ssettm $0x7FFFFFFF  }
0xc5: {  	_ =	shalt  }
tec
execute0_lowered:
.L_overlay_start_1:
0x0: {  	(tag) =	ssettag $0x1  }
0x1: {  	s1 =	rddreg [dreg:$0x0]  }
0x2: {  	s4 =	rddreg [dreg:$0x1];
	s2 =	srdreg.scid  }
0x3: {  	s0 =	stileid.u32;
	s6 =	rddreg [dreg:$0x2]  }
0x4: {  	s3 =	simm.s32 $0x0;
	s11 =	simm.s32 $0x0;
	s5 =	sand.u32 $0x1, s2  }
0x5: {  	s7 =	sshll.u32 s0, $0x1;
	s2 =	rddreg [dreg:$0x3];
	s10 =	smul.u32 $0xC800, s0  }
0x6: {  	[smem:$0x7FF] =	sst s3;
	s7 =	sor.u32 s5, s7;
	s31 =	smul.u32 $0x6400, s5  }
0x7: {  	_ =	strace $0x80000047;
	s8 =	ssub.s32 $0x2, s5;
	s7 =	smul.u32 $0x640, s7  }
0x8: {  	s9 =	sshrl.u32 s8, $0x1;
	s6 =	sadd.s32 s10, s6;
	s10 =	simm.s32 $0x1  }
0x9: {  	s30 =	ssub.s32 s8, s9;
	s6 =	sadd.s32 s31, s6;
	s7 =	sshrl.u32 s7, $0x3  }
0xa: {  	s8 =	simm.s32 $0x50;
	s9 =	simm.s32 $0x680;
	s4 =	sadd.s32 s7, s4  }
0xb: {  	s5 =	smax.u32 s30, $0x1;
	s7 =	simm.s32 $0x2;
	s4 =	sadd.s32 $0x1600, s4  }
.LBB2_1:
0xc: {  	[tilespmem:s3], [sflag:$0x2] =	stream.linear.gather [hbm4b:s4+s3], $0x640, $0x38;
	[tilespmem:$0x2E80] =	vst v63  }
0xd: {  	_ =	swait.ge [sflag:s7], $0x640  }
0xe: {  	[sflag:s7] =	ssyncset.done $0x0  }
0xf: {  	s12 =	simm.s32 $0x0;
	[sflag:s7] =	ssyncadd.s32 $0xFFFFF9C0  }
0x10: {  	[tilespmem:s9], [sflag:$0x1] =	stream.indirect.gather [hbm4b:s1+s8], $0x80, s12, s8, $0xb8;
	[tilespmem:$0x2E80] =	vst v63  }
0x11: {  	_ =	swait.ge [sflag:s10], $0x2800  }
0x12: {  	[sflag:s10] =	ssyncset.done $0x0  }
0x13: {  	[sflag:s10] =	ssyncadd.s32 $0xFFFFD800  }
0x14: {  	[hbm4b:s6+s3] =	stream.linear.scatter [tilespmem:s9], [sflag:$0x2], $0x2800, $0x38;
	[tilespmem:$0x2E80] =	vst v63  }
0x15: {  	s13 =	simm.s32 $0x140;
	_ =	swait.ge [sflag:s7], $0x2800  }
0x16: {  	s14 =	simm.s32 $0x280;
	s12 =	sadd.s32 $0x500, s6;
	[sflag:s7] =	ssyncset.done $0x0  }
.LBB2_2:
0x17: {  	s15 =	sshra.s32 s13, $0x2  }
0x18: {  	[sflag:s7] =	ssyncadd.s32 $0xFFFFD800;
	s13 =	smov.u32 s14;
	s16 =	sadd.s32 $0x140, s14  }
0x19: {  	[tilespmem:s9], [sflag:$0x1] =	stream.indirect.gather [hbm4b:s1+s8], $0x80, s15, s8, $0xb8;
	[tilespmem:$0x2E80] =	vst v63  }
0x1a: {  	p0 =	sne.s32 s14, $0x17C0;
	_ =	swait.ge [sflag:s10], $0x2800  }
.Ltmp0:
0x1b: {  	[sflag:s10] =	ssyncset.done $0x0;
	(pc) =	sbr.rel @p0 .LBB2_2-.Ltmp0, $4  }
0x1c: {  	[sflag:s10] =	ssyncadd.s32 $0xFFFFD800  }
0x1d: {  	[hbm4b:s12+s3] =	stream.linear.scatter [tilespmem:s9], [sflag:$0x2], $0x2800, $0x38;
	[tilespmem:$0x2E80] =	vst v63  }
0x1e: {  	_ =	swait.ge [sflag:s7], $0x2800  }
0x1f: {  	s14 =	smov.u32 s16;
	s12 =	sadd.s32 $0x500, s12;
	[sflag:s7] =	ssyncset.done $0x0  }
0x20: {  	s13 =	sshra.s32 s13, $0x2;
	[sflag:s7] =	ssyncadd.s32 $0xFFFFD800  }
0x21: {  	[tilespmem:s9], [sflag:$0x1] =	stream.indirect.gather [hbm4b:s1+s8], $0x80, s13, s8, $0xb8;
	[tilespmem:$0x2E80] =	vst v63  }
0x22: {  	s11 =	sadd.s32 $0x1, s11;
	_ =	swait.ge [sflag:s10], $0x2800  }
0x23: {  	p0 =	sne.s32 s11, s5;
	[sflag:s10] =	ssyncset.done $0x0  }
.Ltmp1:
0x24: {  	[sflag:s10] =	ssyncadd.s32 $0xFFFFD800;
	(pc) =	sbr.rel @p0 .LBB2_1-.Ltmp1, $4  }
0x25: {  	[hbm4b:s12+s3] =	stream.linear.scatter [tilespmem:s9], [sflag:$0x2], $0x2800, $0x38;
	[tilespmem:$0x2E80] =	vst v63  }
0x26: {  	_ =	swait.ge [sflag:s7], $0x2800  }
0x27: {  	[sflag:s7] =	ssyncset.done $0x0  }
0x28: {  	[sflag:s7] =	ssyncadd.s32 $0xFFFFD800  }
0x29: {  	_ =	sfence.sel $0x180000  }
0x2a: {  	[bflag:$0x0] =	sbarrier.arrive $0xFFFF  }
0x2b: {  	p0 =	sne.s32 s0, $0x0;
	_ =	strace $0x90000047  }
0x2c: {  	s0 =	sadd.s32 @!p0 $0x100000, s2;
	[bflag:$0x2] =	sbarrier.arrive $0xFFFF  }
0x2d: {  	[sflag:s0] =	ssyncadd.tile.s32 @!p0 $0x1;
	_ =	shalt  }
.Lfunc_end2:
_tile_overlayer_lowered:
.L_overlay_start_2:
0x2e: {  	(tag) =	ssettag $0x2  }
0x2f: {  	s0 =	rddreg [dreg:$0x0];
	s2 =	stileid.u32  }
0x30: {  	s1 =	rddreg [dreg:$0x1];
	p0 =	sne.s32 s2, $0x0  }
0x31: {  	s3 =	rddreg [dreg:$0x2];
	[bflag:$0x3] =	sbarrier.arrive $0xFFFF;
	s2 =	simm.s32 @!p0 $0x1C02  }
0x32: {  	[timem:s3], [sflag:s2] =	dma.local @!p0 [hbm:s0], s1  }
0x33: {  	s0 =	simm.s32 @!p0 $0x2  }
0x34: {  	_ =	swait.ge @!p0 [sflag:s0], s1  }
0x35: {  	s1 =	ssub.s32 @!p0 $0x0, s1;
	[sflag:s0] =	ssyncset.done @!p0 $0x0  }
0x36: {  	[sflag:s0] =	ssyncadd.s32 @!p0 s1  }
0x37: {  	[bflag:$0x3] =	sbarrier.arrive $0xFFFF  }
0x38: {  	_ =	shalt  }

// kernel: sparse-core-data-format-call.cloned.1.call-start
scs
called_computation_lowered:
.L_overlay_start_0:
0x0: {  	s2 =	sld [smem:$0x3FD9]  }
0x1: {  	s3 =	sld [smem:$0x3FFE];
	_ =	sdelay $0x1  }
0x2: {  	s1 =	srdreg.scid  }
0x3: {  	s0 =	sand.u32 $0x1, s1  }
0x4: {  	s18 =	sshll.u32 s0, $0xA;
	s2 =	sadd.s32 s3, s2  }
0x5: {  	s2 =	sadd.s32 s2, s18  }
0x6: {  	[smem:$0x3FC0] =	sst s2  }
0x7: {  	_ = 	snop  }
0x8: {  	s2 =	sld [smem:$0x3FD0];
	(tm) =	ssettm $0x1  }
0x9: {  	s19 =	sld [smem:$0x3FFB];
	_ =	sdelay $0x3  }
0xa: {  	_ =	strace s19  }
0xb: {  	s3 =	sld [smem:$0x3FFC];
	_ =	sdelay $0x3  }
0xc: {  	_ =	strace s3  }
0xd: {  	s3 =	sld [smem:$0x3FFD];
	_ =	sdelay $0x3  }
0xe: {  	_ =	strace s3  }
0xf: {  	_ =	strace $0x8FFFFFFF  }
0x10: {  	s20 =	sld [smem:$0x3FDB];
	_ =	sdelay $0x1  }
0x11: {  	s4 =	simm.s32 $_scs_section_size  }
0x12: {  	s5 =	simm.s32 $_size__tile_overlayer_lowered;
	s6 =	simm.s32 $_tile_overlayer_lowered  }
0x13: {  	s23 =	simm.s32 $0x1BFF;
	s22 =	sshll.u32 s6, $0x1;
	s3 =	sadd.s32 s4, s20  }
0x14: {  	s7 =	simm.s32 $0x0;
	s21 =	sshll.u32 s5, $0x1;
	s5 =	sadd.s32 s22, s3  }
0x15: {  	[timem:s7], [sflag:s23] =	dma.local [hbm:s5], s21  }
0x16: {  	_ =	swait.ge [sflag:s23], s21  }
0x17: {  	s4 =	ssub.s32 $0x0, s21;
	[sflag:s23] =	ssyncset.done $0x0  }
0x18: {  	[sflag:s23] =	ssyncadd.s32 s4;
	_ =	sdelay $0x1  }
0x19: {  	s24 =	simm.s32 $0x1B8B  }
0x1a: {  	_ =	swait.ge [sflag:s24], $0x1  }
0x1b: {  	[sflag:s24] =	ssyncset.done $0x0  }
0x1c: {  	s26 =	simm.s32 $0x1B8E;
	s25 =	sld [smem:$0x3FFE];
	[sflag:s24] =	ssyncadd.s32 $0xFFFFFFFF  }
0x1d: {  	s27 =	simm.s32 $execute0_lowered;
	[smem:$0x3FD2] =	sst s26  }
0x1e: {  	s5 =	sshll.u32 s27, $0x1;
	_ =	strace $0x80000049;
	[dreg:$0x1] =	wrdreg $0xFFFFFFFF  }
0x1f: {  	s28 =	simm.s32 $_size_execute0_lowered;
	s3 =	sadd.s32 s3, s5;
	[dreg:$0x0] =	wrdreg $0x0  }
0x20: {  	s5 =	sshll.u32 s28, $0x1;
	[dreg:$0x2] =	wrdreg s3  }
0x21: {  	[dreg:$0x3] =	wrdreg s5  }
0x22: {  	[dreg:$0x4] =	wrdreg $0xC0  }
0x23: {  	_ =	task [dreg:s7], $0x5FFFF  }
0x24: {  	[dreg:$0x1] =	wrdreg $0xFFFFFFFF  }
0x25: {  	[dreg:$0x0] =	wrdreg $0x60  }
0x26: {  	[dreg:$0x2] =	wrdreg s25  }
0x27: {  	[dreg:$0x3] =	wrdreg s2  }
0x28: {  	[dreg:$0x4] =	wrdreg $0x9  }
0x29: {  	_ =	task.clear_ibuf [dreg:s7], $0x5FFFF;
	_ =	strace $0x90000049  }
0x2a: {  	s29 =	simm.s32 $0x9;
	_ =	strace $0x8000004B  }
0x2b: {  	_ =	swait.ge [sflag:s29], $0x1  }
0x2c: {  	[sflag:s29] =	ssyncadd.s32 $0xFFFFFFFF  }
0x2d: {  	_ =	strace $0x9000004B  }
0x2e: {  	_ =	sfence  }
0x2f: {  	s30 =	sld [smem:$0x0];
	_ =	sdelay $0x2  }
0x30: {  	s31 =	sshll.u32 s1, $0xD;
	s1 =	sshrl.u32 s1, $0x2  }
0x31: {  	s3 =	sand.u32 $0x4000, s31;
	s1 =	sadd.s32 s1, s30  }
0x32: {  	s0 =	sor.u32 s3, s0;
	s1 =	sshll.u32 s1, $0x11  }
0x33: {  	s0 =	sor.u32 s1, s0  }
0x34: {  	s0 =	sadd.s32 $0x8F2B, s0  }
0x35: {  	[sflag:s0] =	ssyncadd.remote.s32 $0x1  }
0x36: {  	_ =	sfence.sel $0xFFFF  }
0x37: {  	[dreg:$0x0] =	wrdreg $0xFFFFFFFF;
	(pc) =	sbr.abs _section_cstart, $3  }
0x38: {  	[dreg:$0x1] =	wrdreg $0xFFFFFFFF  }
0x39: {  	_ =	task.clear_ibuf [dreg:s7], $0x2FFFF;
	_ =	strace $0x9FFFFFFF  }
0x3a: {  	(tm) =	ssettm $0x7FFFFFFF  }
0x3b: {  	_ =	shalt  }
tec
execute0_lowered:
.L_overlay_start_1:
0x0: {  	(tag) =	ssettag $0x1  }
0x1: {  	s0 =	stileid.u32  }
0x2: {  	s1 =	srdreg.scid;
	s7 =	rddreg [dreg:$0x0]  }
0x3: {  	s8 =	simm.s32 $0x2;
	s17 =	simm.s32 $0x0;
	s2 =	sshll.u32 s0, $0x7  }
0x4: {  	s9 =	simm.s32 $0x2000;
	s3 =	sshll.u32 s1, $0x4;
	s1 =	sand.u32 $0x380, s2  }
0x5: {  	s19 =	simm.s32 $0x0;
	s30 =	sand.u32 $0x10, s3;
	s31 =	ssub.s32 $0x400, s1  }
0x6: {  	s18 =	simm.s32 $0x0;
	s2 =	sor.u32 s0, s30;
	s4 =	sand.u32 $0x380, s31  }
0x7: {  	s2 =	sshrl.u32 s2, $0x3;
	p0 =	sne.s32 s4, $0x0;
	s4 =	simm.s32 $0x1  }
0x8: {  	s3 =	sshrl.u32 s31, $0xA;
	s5 =	ssub.s32 $0x35, s2;
	s4 =	simm.s32 @!p0 $0x0  }
0x9: {  	s10 =	simm.s32 $0x0;
	s5 =	sshrl.u32 s5, $0x2;
	s3 =	sadd.s32 s4, s3  }
0xa: {  	s11 =	simm.s32 $0x0;
	s12 =	simm.s32 $0x0;
	s6 =	smul.u32 s3, s5  }
.Ltmp0:
0xb: {  	s13 =	simm.s32 $0x0;
	s4 =	rddreg [dreg:$0x1];
	(pc) =	sbr.rel .LBB1_1-.Ltmp0, $4  }
0xc: {  	s16 =	simm.s32 $0x0;
	s7 =	sadd.s32 $0x1600, s7;
	s3 =	rddreg [dreg:$0x2]  }
0xd: {  	_ =	strace $0x8000004A;
	s5 =	simm.s32 $0x1;
	s6 =	smul.u32 $0x3, s6  }
0xe: {  	s15 =	smov.u32 s1;
	s14 =	smov.u32 s2;
	[sflag:s5] =	ssyncpa.u1 $0x0  }
0xf: {  	p0 =	por $0x0, $0x0;
	[sflag:s8] =	ssyncpa.u1 $0x0;
	s8 =	sadd.s32 $0x1, s6  }
.LBB1_4:
0x10: {  	s25 =	sshll.u32 s10, $0xA;
	s24 =	sshra.s32 s24, $0x2;
	s26 =	sshll.u32 s12, $0x3  }
0x11: {  	p1 =	sgt.s32 s11, $0x31;
	s27 =	smov.u32 s11;
	s28 =	sshra.s32 s11, $0x1F  }
0x12: {  	p2 =	sgt.s32 s12, $0x380;
	s31 =	sshra.s32 s12, $0x1F;
	s25 =	sand.u32 $0xFFFFE000, s25  }
0x13: {  	s26 =	sand.u32 $0xFFFFFC00, s26;
	s27 =	simm.s32 @!p1 $0x31;
	s28 =	sand.u32 s28, s11  }
0x14: {  	[tilespmem:s22+$0x2040 ss:$0x81] =	vst.msk $0xffff, v4;
	s23 =	sadd.s32 s24, s23;
	s29 =	sadd.s32 s26, s25;
	s25 =	ssub.s32 s27, s28  }
0x15: {  	[tilespmem:s22+$0x2850 ss:$0x81] =	vst.msk $0xffff, v3;
	s27 =	smov.u32 s12;
	s28 =	smov.u32 s10;
	s26 =	sand.u32 s31, s12  }
0x16: {  	[tilespmem:s22+$0x3060 ss:$0x81] =	vst.msk $0xffff, v2;
	s24 =	sshrl.u32 s29, $0xA;
	s30 =	sadd.s32 $0xFFFFFFCF, s25;
	s27 =	simm.s32 @!p2 $0x380  }
0x17: {  	v5 =	vld [tilespmem:s21+$0xFFFFFFD0];
	[tilespmem:s22+$0x0 ss:$0x81] =	vst.msk $0xffff, v1;
	p2 =	sgt.s32 s10, $0xA0;
	s29 =	sshra.s32 s10, $0x1F;
	s22 =	ssub.s32 $0x32, s25  }
0x18: {  	v58 =	vld [tilespmem:s21+$0xFFFFFFE0];
	p1 =	sgt.s32 s30, $0x0;
	s28 =	simm.s32 @!p2 $0xA0;
	s29 =	sand.u32 s29, s10  }
0x19: {  	v59 =	vld [tilespmem:s21+$0xFFFFFFF0];
	s26 =	ssub.s32 s27, s26;
	s27 =	smulhi.u32 $0xE38E39, s24;
	s28 =	ssub.s32 s28, s29  }
0x1a: {  	v60 =	vld [tilespmem:s21+$0x0];
	s30 =	sadd.s32 $0xFFFFFC80, s26;
	s25 =	ssub.s32 $0x400, s26;
	s22 =	simm.s32 @p1 $0x0  }
0x1b: {  	v61 =	vld [tilespmem:s21+$0x10];
	[tilespmem:s23+$0x3870 ss:$0x81] =	vst.msk $0xffff, v0;
	s29 =	sand.u32 $0x78, s12;
	p2 =	sgt.s32 s30, $0x7F;
	s31 =	sadd.s32 $0xFFFFFF60, s28  }
0x1c: {  	v62 =	vld [tilespmem:s21+$0x20];
	[tilespmem:s23+$0x810 ss:$0x81] =	vst.msk $0xffff, v5;
	s27 =	smul.u32 $0x120, s27;
	s30 =	sshll.u32 s10, $0x7;
	s28 =	ssub.s32 $0x120, s28  }
0x1d: {  	v63 =	vld [tilespmem:s21+$0xFFFFFFC0];
	[tilespmem:s23+$0x1020 ss:$0x81] =	vst.msk $0xffff, v58;
	s25 =	simm.s32 @p2 $0x0;
	p1 =	sgt.s32 s31, $0x7F;
	s31 =	smul.u32 $0x9000, s11  }
0x1e: {  	[tilespmem:s23+$0x1830 ss:$0x81] =	vst.msk $0xffff, v59;
	s21 =	sand.u32 $0x380, s30;
	s22 =	smul.u32 s25, s22;
	s28 =	simm.s32 @p1 $0x0  }
0x1f: {  	[tilespmem:s23+$0x2040 ss:$0x81] =	vst.msk $0xffff, v60;
	s21 =	sor.u32 s29, s21;
	s24 =	ssub.s32 s24, s27;
	s29 =	sand.u32 $0x7, s12  }
0x20: {  	[tilespmem:s23+$0x2850 ss:$0x81] =	vst.msk $0xffff, v61;
	s21 =	sshrl.u32 s21, $0x3;
	s25 =	sadd.s32 s4, s31;
	s22 =	smul.u32 s28, s22  }
0x21: {  	[tilespmem:s23+$0x3060 ss:$0x81] =	vst.msk $0xffff, v62;
	s24 =	sshll.u32 s24, $0x7;
	s30 =	sshll.u32 s29, $0x12;
	s21 =	sadd.s32 s21, s25  }
0x22: {  	[tilespmem:s23+$0x0 ss:$0x81] =	vst.msk $0xffff, v63;
	s31 =	sor.u32 $0x400, s30;
	s21 =	sadd.s32 s24, s21;
	s22 =	sand.u32 $0x3FFFFFFF, s22  }
0x23: {  	[hbm4b:s21+s31] =	stream.strided.scatter [tilespmem:s20], [sflag:$0x2], s22, s9, s31, $0x20;
	[tilespmem:$0x10100] =	vst v63  }
.LBB1_5:
0x24: {  	p1 =	slt.u32 s16, $0x2  }
0x25: {  	p2 =	sgt.s32 @!p1 s19, $0x31  }
0x26: {  	s20 =	smov.u32 s19;
	s21 =	sshra.s32 @!p1 s19, $0x1F;
	p2 =	por !p2, p1  }
0x27: {  	s19 =	sand.u32 @!p1 s21, s19;
	s20 =	simm.s32 @p2 $0x31  }
0x28: {  	p3 =	sgt.s32 @!p1 s18, $0x380;
	s19 =	ssub.s32 @!p1 s20, s19  }
0x29: {  	p3 =	por !p3, p1;
	s21 =	sshra.s32 @!p1 s18, $0x1F;
	s20 =	sadd.s32 @!p1 $0xFFFFFFCF, s19  }
0x2a: {  	s19 =	ssub.s32 @!p1 $0x32, s19;
	p2 =	sgt.s32 @!p1 s20, $0x0;
	s20 =	smov.u32 s18  }
0x2b: {  	s18 =	sand.u32 @!p1 s21, s18;
	s20 =	simm.s32 @p3 $0x380;
	p3 =	sgt.s32 @!p1 s17, $0xA0  }
0x2c: {  	s21 =	smov.u32 s17;
	p2 =	por !p2, p1;
	p3 =	por !p3, p1  }
0x2d: {  	s18 =	ssub.s32 @!p1 s20, s18;
	s20 =	sshra.s32 @!p1 s17, $0x1F;
	s19 =	simm.s32 @!p2 $0x0  }
0x2e: {  	s21 =	simm.s32 @p3 $0xA0;
	s17 =	sand.u32 @!p1 s20, s17;
	s20 =	sadd.s32 @!p1 $0xFFFFFC80, s18  }
0x2f: {  	s18 =	ssub.s32 @!p1 $0x400, s18;
	s17 =	ssub.s32 @!p1 s21, s17;
	p2 =	sgt.s32 @!p1 s20, $0x7F  }
0x30: {  	s21 =	smov.u32 s14;
	s20 =	sadd.s32 @!p1 $0xFFFFFF60, s17;
	p2 =	por !p2, p1  }
0x31: {  	s17 =	ssub.s32 @!p1 $0x120, s17;
	p3 =	sgt.s32 @!p1 s20, $0x7F;
	s18 =	simm.s32 @!p2 $0x0  }
0x32: {  	s20 =	sadd.s32 $0x80, s13;
	p2 =	por !p3, p1;
	s18 =	smul.u32 @!p1 s18, s19  }
0x33: {  	s19 =	sadd.s32 $0x4, s14;
	s17 =	simm.s32 @!p2 $0x0;
	p2 =	sgt.s32 s20, $0x11F  }
0x34: {  	s22 =	smov.u32 s15;
	s21 =	smov.u32 @p2 s19  }
0x35: {  	s17 =	smul.u32 @!p1 s17, s18;
	s18 =	sadd.s32 $0x400, s15;
	p3 =	sgt.s32 s21, $0x31  }
0x36: {  	p0 =	por !p0, !p0;
	s23 =	simm.s32 @!p1 $0x2;
	s22 =	smov.u32 @p3 s18  }
0x37: {  	s20 =	simm.s32 @p2 $0x0;
	s19 =	smov.u32 s11;
	p2 =	sgt.s32 s22, $0x3FF  }
0x38: {  	s11 =	smov.u32 s14;
	s22 =	smov.u32 @p2 s1;
	p2 =	sne.s32 s16, s8  }
.Ltmp1:
0x39: {  	s17 =	sand.u32 @!p1 $0x3FFFFFFF, s17;
	s21 =	smov.u32 @p3 s2;
	(pc) =	sbr.rel @!p2 .LBB1_6-.Ltmp1, $4  }
0x3a: {  	s18 =	smov.u32 s12;
	s12 =	smov.u32 s15;
	_ =	swait.ge @!p1 [sflag:s23], s17  }
0x3b: {  	s24 =	ssub.s32 @!p1 $0x0, s17;
	s17 =	smov.u32 s10;
	s10 =	smov.u32 s13  }
0x3c: {  	s13 =	smov.u32 s20;
	s14 =	smov.u32 s21;
	[sflag:s23] =	ssyncset.done @!p1 $0x0  }
0x3d: {  	s16 =	sadd.s32 $0x1, s16;
	[sflag:s23] =	ssyncadd.s32 @!p1 s24;
	s15 =	smov.u32 s22  }
.LBB1_1:
0x3e: {  	p1 =	sge.u32 s16, s6  }
0x3f: {  	s20 =	sshrl.u32 @!p1 s14, $0x3  }
0x40: {  	s21 =	sshll.u32 @!p1 s13, $0x3;
	s20 =	smul.u32 @!p1 $0xC00, s20  }
0x41: {  	s22 =	sshll.u32 @!p1 s14, $0x7;
	s21 =	sand.u32 @!p1 $0xFFFFFC00, s21  }
0x42: {  	s20 =	sadd.s32 @!p1 s20, s21;
	s21 =	sand.u32 @!p1 $0x380, s22  }
0x43: {  	s20 =	sor.u32 @!p1 s21, s20  }
0x44: {  	s21 =	sand.u32 @!p1 $0x7F, s13;
	s22 =	smulhi.u32 @!p1 $0xAAAAAAAB, s20  }
0x45: {  	s20 =	sor.u32 @!p1 s21, s20  }
0x46: {  	s21 =	smulhi.u32 @!p1 $0xAAAAAAAB, s20;
	s22 =	sshrl.u32 @!p1 s22, $0x8  }
0x47: {  	s23 =	smulhi.u32 @!p1 $0x4924925, s22;
	_ =	sdelay $0x1  }
0x48: {  	s21 =	sshrl.u32 @!p1 s21, $0x8;
	s23 =	smul.u32 @!p1 $0x38, s23  }
0x49: {  	s31 =	sadd.s32 $0xFFFFFFFF, s16;
	s21 =	smul.u32 @!p1 $0x180, s21  }
0x4a: {  	s24 =	sxor.u32 @!p1 $0xFFFFFFFF, s16;
	s22 =	ssub.s32 @!p1 s22, s23;
	s23 =	smul.u32 @!p1 $0xA80, s15  }
0x4b: {  	s24 =	sshll.u32 @!p1 s24, $0xE;
	s20 =	ssub.s32 @!p1 s20, s21;
	s21 =	smul.u32 @!p1 $0x30, s22  }
0x4c: {  	s22 =	sand.u32 @!p1 $0x4000, s24;
	s24 =	sand.u32 @!p1 $0x7, s20;
	s23 =	sadd.s32 @!p1 s7, s23  }
0x4d: {  	s20 =	sshrl.u32 @!p1 s20, $0x3;
	s21 =	sadd.s32 @!p1 s21, s23;
	s23 =	sshll.u32 @!p1 s24, $0x12  }
0x4e: {  	s20 =	sadd.s32 @!p1 s20, s21;
	s21 =	sor.u32 @!p1 $0x80, s23;
	s23 =	simm.s32 @!p1 $0x5400  }
0x4f: {  	[tilespmem:s22], [sflag:$0x1] =	stream.strided.gather @!p1 [hbm4b:s20+s21], $0x4000, s23, s21, $0x38;
	[tilespmem:$0x10100] =	vst v63  }
0x50: {  	p1 =	sge.u32 s31, s6  }
.Ltmp2:
0x51: {  	_ = 	snop;
	(pc) =	sbr.rel @p1 .LBB1_5-.Ltmp2, $1  }
0x52: {  	_ =	sdelay $0x3  }
0x53: {  	s20 =	simm.s32 $0x1  }
0x54: {  	_ =	swait.ge [sflag:s5], $0x4000;
	s20 =	simm.s32 @!p0 $0x0  }
0x55: {  	[sflag:s5] =	ssyncset.done $0x0;
	s21 =	sshll.u32 s20, $0xE  }
0x56: {  	[sflag:s5] =	ssyncadd.s32 $0xFFFFC000;
	s21 =	sor.u32 $0x40, s21  }
0x57: {  	s20 =	smul.u32 $0x10200, s20;
	v0 =	vld [tilespmem:s21+$0x30]  }
0x58: {  	v1 =	vld [tilespmem:s21+$0xFFFFFFD0]  }
0x59: {  	s20 =	sshrl.u32 s20, $0x2;
	v5 =	vld [tilespmem:s21+$0xFFFFFFE0]  }
0x5a: {  	v6 =	vld [tilespmem:s21+$0xFFFFFFF0];
	s23 =	sor.u32 $0x8000, s20  }
0x5b: {  	s31 =	sand.u32 $0x1, s16;
	v4 =	vld [tilespmem:s21+$0x0];
	s22 =	sadd.s32 $0x0, s23  }
0x5c: {  	v3 =	vld [tilespmem:s21+$0x10];
	s20 =	smul.u32 $0x10200, s31;
	[tilespmem:s22+$0x3870 ss:$0x81] =	vst.msk $0xffff, v0  }
0x5d: {  	v2 =	vld [tilespmem:s21+$0x20];
	[tilespmem:s22+$0x810 ss:$0x81] =	vst.msk $0xffff, v1  }
0x5e: {  	s20 =	sshrl.u32 s20, $0x2;
	v1 =	vld [tilespmem:s21+$0xFFFFFFC0];
	[tilespmem:s22+$0x1020 ss:$0x81] =	vst.msk $0xffff, v5;
	s21 =	sadd.s32 $0x80, s21  }
0x5f: {  	s24 =	simm.s32 $0x4;
	s25 =	simm.s32 $0x8;
	s20 =	sor.u32 $0x8000, s20;
	[tilespmem:s22+$0x1830 ss:$0x81] =	vst.msk $0xffff, v6;
	v0 =	vld [tilespmem:s21+$0x30]  }
.LBB1_3:
0x60: {  	p1 =	sne.s32 s25, $0x1FC;
	v5 =	vld [tilespmem:s21+$0xFFFFFFD0];
	[tilespmem:s22+$0x2040 ss:$0x81] =	vst.msk $0xffff, v4  }
0x61: {  	v6 =	vld [tilespmem:s21+$0xFFFFFFE0];
	[tilespmem:s22+$0x2850 ss:$0x81] =	vst.msk $0xffff, v3  }
0x62: {  	s26 =	sshra.s32 s24, $0x2;
	s24 =	smov.u32 s25;
	v7 =	vld [tilespmem:s21+$0xFFFFFFF0];
	[tilespmem:s22+$0x3060 ss:$0x81] =	vst.msk $0xffff, v2  }
.Ltmp3:
0x63: {  	v4 =	vld [tilespmem:s21+$0x0];
	[tilespmem:s22+$0x0 ss:$0x81] =	vst.msk $0xffff, v1;
	s22 =	sadd.s32 s26, s23;
	(pc) =	sbr.rel @p1 .LBB1_3-.Ltmp3, $4  }
0x64: {  	v3 =	vld [tilespmem:s21+$0x10];
	[tilespmem:s22+$0x3870 ss:$0x81] =	vst.msk $0xffff, v0  }
0x65: {  	[tilespmem:s22+$0x810 ss:$0x81] =	vst.msk $0xffff, v5;
	v2 =	vld [tilespmem:s21+$0x20]  }
0x66: {  	v1 =	vld [tilespmem:s21+$0xFFFFFFC0];
	[tilespmem:s22+$0x1020 ss:$0x81] =	vst.msk $0xffff, v6;
	s21 =	sadd.s32 $0x80, s21  }
0x67: {  	s25 =	sadd.s32 $0x4, s25;
	v0 =	vld [tilespmem:s21+$0x30];
	[tilespmem:s22+$0x1830 ss:$0x81] =	vst.msk $0xffff, v7  }
.Ltmp4:
0x68: {  	_ = 	snop;
	(pc) =	sbr.rel .LBB1_4-.Ltmp4, $1  }
0x69: {  	_ =	sdelay $0x3  }
.LBB1_6:
0x6a: {  	_ =	sfence.sel $0x180000  }
0x6b: {  	s1 =	simm.s32 $0x1;
	[bflag:$0x0] =	sbarrier.arrive $0xFFFF  }
0x6c: {  	s31 =	simm.s32 $0x2;
	[sflag:s1] =	ssyncpa.u1 $0x1  }
0x6d: {  	[sflag:s31] =	ssyncpa.u1 $0x1  }
0x6e: {  	p0 =	sne.s32 s0, $0x0;
	_ =	strace $0x9000004A  }
0x6f: {  	s0 =	sadd.s32 @!p0 $0x100000, s3;
	[bflag:$0x2] =	sbarrier.arrive $0xFFFF  }
0x70: {  	[sflag:s0] =	ssyncadd.tile.s32 @!p0 $0x1;
	_ =	shalt  }
.Lfunc_end1:
_tile_overlayer_lowered:
.L_overlay_start_2:
0x71: {  	(tag) =	ssettag $0x2  }
0x72: {  	s0 =	rddreg [dreg:$0x0];
	s2 =	stileid.u32  }
0x73: {  	s1 =	rddreg [dreg:$0x1];
	p0 =	sne.s32 s2, $0x0  }
0x74: {  	s3 =	rddreg [dreg:$0x2];
	[bflag:$0x3] =	sbarrier.arrive $0xFFFF;
	s2 =	simm.s32 @!p0 $0x1C01  }
0x75: {  	[timem:s3], [sflag:s2] =	dma.local @!p0 [hbm:s0], s1  }
0x76: {  	s0 =	simm.s32 @!p0 $0x1  }
0x77: {  	_ =	swait.ge @!p0 [sflag:s0], s1  }
0x78: {  	s1 =	ssub.s32 @!p0 $0x0, s1;
	[sflag:s0] =	ssyncset.done @!p0 $0x0  }
0x79: {  	[sflag:s0] =	ssyncadd.s32 @!p0 s1  }
0x7a: {  	[bflag:$0x3] =	sbarrier.arrive $0xFFFF  }
0x7b: {  	_ =	shalt  }

</sc_bundles>
